<compile_context>
chip_gen: v7x
topology: tpu7x:2x2x1
jax: 0.10.2.dev20260603
libtpu: 0.0.44.dev20260713+nightly
codegen_flags: <defaults>
</compile_context>

<pallas_src>
import functools

import jax
import jax.numpy as jnp
from jax import lax
from jax.experimental import pallas as pl
from jax.experimental.pallas import tpu as pltpu
from jax.experimental.pallas import tpu_sc as plsc

N_ROWS = 8192
N_CODES = 8192
C_DIM = 32
ROW_BLK = 256
N_BLKS = N_ROWS // ROW_BLK

NC = 2
NS = 16
NW = NC * NS
B_PER_W = N_ROWS // NW
LANES = 16

_PREC = lax.Precision.DEFAULT


_SEG = (0, 2816, 5632, 8192)


def _argmin_body(x_ref, xsq_ref, cb_ref, cbsq_ref, idx_ref):
    dot = lax.dot_general(
        x_ref[...], cb_ref[...],
        dimension_numbers=(((1,), (1,)), ((), ())),
        precision=_PREC,
        preferred_element_type=jnp.float32,
    )
    d2 = (xsq_ref[...] + cbsq_ref[...]) - 2.0 * dot
    dist = jnp.sqrt(jnp.maximum(d2, 0.0))
    ids = lax.broadcasted_iota(jnp.int32, (ROW_BLK, N_CODES), 1)

    acc_v = None
    for s, e in zip(_SEG[:-1], _SEG[1:]):
        seg = dist[:, s:e]
        m = jnp.min(seg, axis=1, keepdims=True)
        cand = jnp.where(seg == m, ids[:, s:e], jnp.int32(2**31 - 1))
        i = jnp.min(cand, axis=1, keepdims=True)
        m_r = m.astype(jnp.bfloat16).astype(jnp.float32)
        if acc_v is None:
            acc_v, acc_i = m_r, i
        else:
            take = m < acc_v
            acc_i = jnp.where(take, i, acc_i)
            acc_v = jnp.where(take, m_r, acc_v)
    idx_ref[0, 0, :] = acc_i[:, 0]


def _tc_argmin(x, x_sq, codebook, cb_sq):
    out = pl.pallas_call(
        _argmin_body,
        grid=(N_BLKS,),
        in_specs=[
            pl.BlockSpec((ROW_BLK, C_DIM), lambda i: (i, 0)),
            pl.BlockSpec((ROW_BLK, 1), lambda i: (i, 0)),
            pl.BlockSpec((N_CODES, C_DIM), lambda i: (0, 0)),
            pl.BlockSpec((1, N_CODES), lambda i: (0, 0)),
        ],
        out_specs=pl.BlockSpec((1, 1, ROW_BLK), lambda i: (i, 0, 0)),
        out_shape=jax.ShapeDtypeStruct((N_BLKS, 1, ROW_BLK), jnp.int32),
    )(x, x_sq, codebook, cb_sq)
    return out.reshape(N_ROWS)


def _sc_gather_loss(codebook, idx, x):
    mesh = plsc.VectorSubcoreMesh(core_axis_name="c", subcore_axis_name="s")

    @functools.partial(
        pl.kernel,
        mesh=mesh,
        out_type=[
            jax.ShapeDtypeStruct((N_ROWS, C_DIM), jnp.float32),
            jax.ShapeDtypeStruct((NW, LANES), jnp.float32),
        ],
        scratch_types=[
            pltpu.VMEM((B_PER_W,), jnp.int32),
            pltpu.VMEM((B_PER_W, C_DIM), jnp.float32),
            pltpu.VMEM((B_PER_W, C_DIM), jnp.float32),
            pltpu.VMEM((LANES,), jnp.float32),
            pltpu.SemaphoreType.DMA,
        ],
        compiler_params=pltpu.CompilerParams(use_tc_tiling_on_sc=False),
    )
    def k(cb_hbm, idx_hbm, x_hbm, out_hbm, loss_hbm, idx_v, rows_v, x_v, loss_v, sem):
        wid = lax.axis_index("s") * NC + lax.axis_index("c")
        base = wid * B_PER_W
        pltpu.sync_copy(idx_hbm.at[pl.ds(base, B_PER_W)], idx_v)
        pltpu.async_copy(cb_hbm.at[idx_v], rows_v, sem).wait()
        pltpu.sync_copy(rows_v, out_hbm.at[pl.ds(base, B_PER_W)])
        pltpu.sync_copy(x_hbm.at[pl.ds(base, B_PER_W)], x_v)

        def body(i, acc):
            a0, a1 = acc
            d0 = rows_v[i, pl.ds(0, LANES)] - x_v[i, pl.ds(0, LANES)]
            d1 = rows_v[i, pl.ds(LANES, LANES)] - x_v[i, pl.ds(LANES, LANES)]
            return (a0 + d0 * d0, a1 + d1 * d1)

        z16 = jnp.zeros((LANES,), jnp.float32)
        a0, a1 = lax.fori_loop(0, B_PER_W, body, (z16, z16))
        loss_v[...] = a0 + a1
        pltpu.sync_copy(loss_v, loss_hbm.at[wid])

    return k(codebook, idx, x)


def kernel(z, codebook):
    B, C, H, W = z.shape
    x = jnp.transpose(z, (0, 2, 3, 1)).reshape(N_ROWS, C)
    x_sq = jnp.sum(x * x, axis=-1, keepdims=True)
    cb_sq = jnp.sum(codebook * codebook, axis=-1).reshape(1, N_CODES)

    idx = _tc_argmin(x, x_sq, codebook, cb_sq)
    q, loss_part = _sc_gather_loss(codebook, idx, x)

    loss = jnp.sum(loss_part) / (N_ROWS * C_DIM)
    z_out = jnp.transpose(q.reshape(B, H, W, C), (0, 3, 1, 2))
    return (z_out, loss, loss)

# --- scband reference (transcript-rebuilt; emitter-appended) ---
"""Pipeline reference for scband-quantizer-83356725281204 (READ-ONLY COPY).

The authoritative reference and input builder live on the scoring server;
editing this copy changes nothing except your own understanding.
"""

import jax, jax.numpy as jnp
import numpy as np


def setup_inputs(seed: int = 0) -> dict:
    key = jax.random.key(seed)
    k1, k2 = jax.random.split(key)
    z = jax.random.normal(k1, (8, 32, 32, 32), dtype=jnp.float32)
    codebook = jax.random.normal(k2, (8192, 32), dtype=jnp.float32)
    return {"z": z, "codebook": codebook}


def reference(z, codebook):
    B, C, H, W = z.shape
    # rearrange 'b c h w -> b (h w) c'
    x = jnp.transpose(z, (0, 2, 3, 1)).reshape(B, H * W, C)
    # torch.cdist (p=2) via ||x||^2 + ||c||^2 - 2 x.c^T (matches torch's mm-based compute mode)
    x_sq = jnp.sum(x * x, axis=-1, keepdims=True)
    cb_sq = jnp.sum(codebook * codebook, axis=-1)
    d2 = x_sq + cb_sq[None, None, :] - 2.0 * jnp.einsum('bnc,kc->bnk', x, codebook)
    distances = jnp.sqrt(jnp.maximum(d2, 0.0))
    nearest_neighbors = jnp.argmin(distances, axis=-1)
    flattened_quantized_z = jnp.take(codebook, nearest_neighbors.reshape(-1), axis=0)
    # rearrange 'b c h w -> (b h w) c' equals x flattened over (b, hw)
    flattened_z = x.reshape(-1, C)
    commitment_loss = jnp.mean((jax.lax.stop_gradient(flattened_quantized_z) - flattened_z) ** 2)
    codebook_loss = jnp.mean((flattened_quantized_z - jax.lax.stop_gradient(flattened_z)) ** 2)
    flattened_z_out = flattened_z + jax.lax.stop_gradient(flattened_quantized_z - flattened_z)
    z_out = jnp.transpose(flattened_z_out.reshape(B, H, W, C), (0, 3, 1, 2))
    return (z_out, commitment_loss, codebook_loss)

if __name__ == "__main__":
    import jax
    _d = setup_inputs()
    print(jax.jit(kernel)(*tuple(_d.values())))

</pallas_src>

<mosaic_0001>
#map = affine_map<(d0, d1) -> (0, 0)>
#map1 = affine_map<(d0, d1) -> (0)>
module attributes {stable_mosaic.version = 14 : i64} {
  func.func @k(%arg0: i32, %arg1: i32, %arg2: memref<8192x32xf32, #tpu.memory_space<hbm>>, %arg3: memref<8192xi32, #tpu.memory_space<hbm>>, %arg4: memref<8192x32xf32, #tpu.memory_space<hbm>>, %arg5: memref<8192x32xf32, #tpu.memory_space<hbm>>, %arg6: memref<32x16xf32, #tpu.memory_space<hbm>>, %arg7: memref<256xi32, #tpu.memory_space<vmem>>, %arg8: memref<256x32xf32, #tpu.memory_space<vmem>>, %arg9: memref<256x32xf32, #tpu.memory_space<vmem>>, %arg10: memref<16xf32, #tpu.memory_space<vmem>>, %arg11: memref<!tpu.dma_semaphore, #tpu.memory_space<semaphore_mem>>) attributes {dimension_semantics = [#tpu.dimension_semantics<core_parallel>, #tpu.dimension_semantics<subcore_parallel>], iteration_bounds = array<i64: 2, 16>, scalar_prefetch = 0 : i64, scratch_operands = 5 : i64, tpu.core_type = #tpu.core_type<sc_vector_subcore>, window_params = [{transform_indices = #map}, {transform_indices = #map1}, {transform_indices = #map}, {transform_indices = #map}, {transform_indices = #map}]} {
    %mul3A = arith.constant 2 : i32
    %mul3A_0 = arith.muli %arg1, %mul3A : i32
    %add3A = arith.addi %mul3A_0, %arg0 : i32
    %mul3A_1 = arith.constant 256 : i32
    %mul3A_2 = arith.muli %add3A, %mul3A_1 : i32
    "tpu.region"() ({
      %run_scoped3A = tpu.sem_alloc : memref<!tpu.dma_semaphore, #tpu.memory_space<semaphore_mem>>
      %dma_start3A_17 = tpu.memref_slice %arg3[%mul3A_2] : memref<8192xi32, #tpu.memory_space<hbm>> -> memref<256xi32, #tpu.memory_space<hbm>>
      %dma_start3A_18 = tpu.memref_slice %arg3[%mul3A_2] : memref<8192xi32, #tpu.memory_space<hbm>> -> memref<256xi32, #tpu.memory_space<hbm>>
      tpu.enqueue_dma source(%dma_start3A_18 : memref<256xi32, #tpu.memory_space<hbm>>) target(%arg7 : memref<256xi32, #tpu.memory_space<vmem>>) target_semaphore(%run_scoped3A : memref<!tpu.dma_semaphore, #tpu.memory_space<semaphore_mem>>)
      %dma_wait3A_19 = tpu.memref_slice %arg3[%mul3A_2] : memref<8192xi32, #tpu.memory_space<hbm>> -> memref<256xi32, #tpu.memory_space<hbm>>
      %dma_wait3A_20 = tpu.memref_slice %arg3[%mul3A_2] : memref<8192xi32, #tpu.memory_space<hbm>> -> memref<256xi32, #tpu.memory_space<hbm>>
      tpu.wait_dma2 semaphore(%run_scoped3A : memref<!tpu.dma_semaphore, #tpu.memory_space<semaphore_mem>>) src(%dma_wait3A_20 : memref<256xi32, #tpu.memory_space<hbm>>) dst(%arg7 : memref<256xi32, #tpu.memory_space<vmem>>)
      tpu.yield
    }) : () -> ()
    %dma_start3A = arith.constant 0 : i32
    %dma_start3A_3 = arith.constant 0 : i32
    %dma_start3A_4 = tpu.memref_slice %arg2[%dma_start3A, %dma_start3A_3] : memref<8192x32xf32, #tpu.memory_space<hbm>> -> memref<8192x32xf32, #tpu.memory_space<hbm>>
    tpu.enqueue_indirect_dma source(%dma_start3A_4 : memref<8192x32xf32, #tpu.memory_space<hbm>>) target(%arg8 : memref<256x32xf32, #tpu.memory_space<vmem>>) offsets(%arg7 : memref<256xi32, #tpu.memory_space<vmem>>) semaphore(%arg11 : memref<!tpu.dma_semaphore, #tpu.memory_space<semaphore_mem>>)
    %dma_wait3A = arith.constant 0 : i32
    %dma_wait3A_5 = arith.constant 0 : i32
    %dma_wait3A_6 = tpu.memref_slice %arg2[%dma_wait3A, %dma_wait3A_5] : memref<8192x32xf32, #tpu.memory_space<hbm>> -> memref<8192x32xf32, #tpu.memory_space<hbm>>
    tpu.wait_indirect_dma semaphore(%arg11 : memref<!tpu.dma_semaphore, #tpu.memory_space<semaphore_mem>>) src(%dma_wait3A_6 : memref<8192x32xf32, #tpu.memory_space<hbm>>) dst(%arg8 : memref<256x32xf32, #tpu.memory_space<vmem>>)
    "tpu.region"() ({
      %run_scoped3A = tpu.sem_alloc : memref<!tpu.dma_semaphore, #tpu.memory_space<semaphore_mem>>
      %dma_start3A_17 = arith.constant 0 : i32
      %dma_start3A_18 = tpu.memref_slice %arg5[%mul3A_2, %dma_start3A_17] : memref<8192x32xf32, #tpu.memory_space<hbm>> -> memref<256x32xf32, #tpu.memory_space<hbm>>
      %dma_start3A_19 = arith.constant 0 : i32
      %dma_start3A_20 = tpu.memref_slice %arg5[%mul3A_2, %dma_start3A_19] : memref<8192x32xf32, #tpu.memory_space<hbm>> -> memref<256x32xf32, #tpu.memory_space<hbm>>
      tpu.enqueue_dma source(%arg8 : memref<256x32xf32, #tpu.memory_space<vmem>>) target(%dma_start3A_20 : memref<256x32xf32, #tpu.memory_space<hbm>>) target_semaphore(%run_scoped3A : memref<!tpu.dma_semaphore, #tpu.memory_space<semaphore_mem>>)
      %dma_wait3A_21 = arith.constant 0 : i32
      %dma_wait3A_22 = tpu.memref_slice %arg5[%mul3A_2, %dma_wait3A_21] : memref<8192x32xf32, #tpu.memory_space<hbm>> -> memref<256x32xf32, #tpu.memory_space<hbm>>
      %dma_wait3A_23 = arith.constant 0 : i32
      %dma_wait3A_24 = tpu.memref_slice %arg5[%mul3A_2, %dma_wait3A_23] : memref<8192x32xf32, #tpu.memory_space<hbm>> -> memref<256x32xf32, #tpu.memory_space<hbm>>
      tpu.wait_dma2 semaphore(%run_scoped3A : memref<!tpu.dma_semaphore, #tpu.memory_space<semaphore_mem>>) src(%arg8 : memref<256x32xf32, #tpu.memory_space<vmem>>) dst(%dma_wait3A_24 : memref<256x32xf32, #tpu.memory_space<hbm>>)
      tpu.yield
    }) : () -> ()
    "tpu.region"() ({
      %run_scoped3A = tpu.sem_alloc : memref<!tpu.dma_semaphore, #tpu.memory_space<semaphore_mem>>
      %dma_start3A_17 = arith.constant 0 : i32
      %dma_start3A_18 = tpu.memref_slice %arg4[%mul3A_2, %dma_start3A_17] : memref<8192x32xf32, #tpu.memory_space<hbm>> -> memref<256x32xf32, #tpu.memory_space<hbm>>
      %dma_start3A_19 = arith.constant 0 : i32
      %dma_start3A_20 = tpu.memref_slice %arg4[%mul3A_2, %dma_start3A_19] : memref<8192x32xf32, #tpu.memory_space<hbm>> -> memref<256x32xf32, #tpu.memory_space<hbm>>
      tpu.enqueue_dma source(%dma_start3A_20 : memref<256x32xf32, #tpu.memory_space<hbm>>) target(%arg9 : memref<256x32xf32, #tpu.memory_space<vmem>>) target_semaphore(%run_scoped3A : memref<!tpu.dma_semaphore, #tpu.memory_space<semaphore_mem>>)
      %dma_wait3A_21 = arith.constant 0 : i32
      %dma_wait3A_22 = tpu.memref_slice %arg4[%mul3A_2, %dma_wait3A_21] : memref<8192x32xf32, #tpu.memory_space<hbm>> -> memref<256x32xf32, #tpu.memory_space<hbm>>
      %dma_wait3A_23 = arith.constant 0 : i32
      %dma_wait3A_24 = tpu.memref_slice %arg4[%mul3A_2, %dma_wait3A_23] : memref<8192x32xf32, #tpu.memory_space<hbm>> -> memref<256x32xf32, #tpu.memory_space<hbm>>
      tpu.wait_dma2 semaphore(%run_scoped3A : memref<!tpu.dma_semaphore, #tpu.memory_space<semaphore_mem>>) src(%dma_wait3A_24 : memref<256x32xf32, #tpu.memory_space<hbm>>) dst(%arg9 : memref<256x32xf32, #tpu.memory_space<vmem>>)
      tpu.yield
    }) : () -> ()
    %broadcast_in_dim3A = arith.constant 0.000000e+00 : f32
    %broadcast_in_dim3A_7 = vector.broadcast %broadcast_in_dim3A : f32 to vector<16xf32>
    %scan3A = arith.constant 0 : i32
    %scan3A_8 = arith.constant 256 : i32
    %scan3A_9 = arith.addi %scan3A, %scan3A_8 : i32
    %scan3A_10 = arith.constant 1 : i32
    %scan3A_11:2 = scf.for %scan3A_17 = %scan3A to %scan3A_9 step %scan3A_10 iter_args(%scan3A_18 = %broadcast_in_dim3A_7, %scan3A_19 = %broadcast_in_dim3A_7) -> (vector<16xf32>, vector<16xf32>)  : i32 {
      %get3A = arith.index_cast %scan3A_17 : i32 to index
      %get3A_20 = arith.constant 0 : index
      %get3A_21 = tpu.vector_load %arg8[%get3A, %get3A_20] {strides = array<i32>} : memref<256x32xf32, #tpu.memory_space<vmem>>, vector<1x16xf32>,
      %get3A_22 = vector.shape_cast %get3A_21 : vector<1x16xf32> to vector<16xf32>
      %get3A_23 = arith.index_cast %scan3A_17 : i32 to index
      %get3A_24 = arith.constant 0 : index
      %get3A_25 = tpu.vector_load %arg9[%get3A_23, %get3A_24] {strides = array<i32>} : memref<256x32xf32, #tpu.memory_space<vmem>>, vector<1x16xf32>,
      %get3A_26 = vector.shape_cast %get3A_25 : vector<1x16xf32> to vector<16xf32>
      %sub3A = arith.subf %get3A_22, %get3A_26 : vector<16xf32>
      %get3A_27 = arith.index_cast %scan3A_17 : i32 to index
      %get3A_28 = arith.constant 16 : index
      %get3A_29 = tpu.vector_load %arg8[%get3A_27, %get3A_28] {strides = array<i32>} : memref<256x32xf32, #tpu.memory_space<vmem>>, vector<1x16xf32>,
      %get3A_30 = vector.shape_cast %get3A_29 : vector<1x16xf32> to vector<16xf32>
      %get3A_31 = arith.index_cast %scan3A_17 : i32 to index
      %get3A_32 = arith.constant 16 : index
      %get3A_33 = tpu.vector_load %arg9[%get3A_31, %get3A_32] {strides = array<i32>} : memref<256x32xf32, #tpu.memory_space<vmem>>, vector<1x16xf32>,
      %get3A_34 = vector.shape_cast %get3A_33 : vector<1x16xf32> to vector<16xf32>
      %sub3A_35 = arith.subf %get3A_30, %get3A_34 : vector<16xf32>
      %mul3A_36 = arith.mulf %sub3A, %sub3A : vector<16xf32>
      %add3A_37 = arith.addf %scan3A_18, %mul3A_36 : vector<16xf32>
      %mul3A_38 = arith.mulf %sub3A_35, %sub3A_35 : vector<16xf32>
      %add3A_39 = arith.addf %scan3A_19, %mul3A_38 : vector<16xf32>
      scf.yield %add3A_37, %add3A_39 : vector<16xf32>, vector<16xf32>
    }
    %scan3A_12 = arith.constant 256 : i32
    %add3A_13 = arith.addf %scan3A_11#0, %scan3A_11#1 : vector<16xf32>
    %swap3A = arith.constant 0 : index
    %swap3A_14 = tpu.vector_load %arg10[%swap3A] {strides = array<i32>} : memref<16xf32, #tpu.memory_space<vmem>>, vector<16xf32>,
    %swap3A_15 = vector.shape_cast %swap3A_14 : vector<16xf32> to vector<16xf32>
    %swap3A_16 = vector.shape_cast %add3A_13 : vector<16xf32> to vector<16xf32>
    tpu.vector_store %arg10[%swap3A], %swap3A_16 {strides = array<i32>} : memref<16xf32, #tpu.memory_space<vmem>>, vector<16xf32>,
    "tpu.region"() ({
      %run_scoped3A = tpu.sem_alloc : memref<!tpu.dma_semaphore, #tpu.memory_space<semaphore_mem>>
      %dma_start3A_17 = arith.constant 0 : i32
      %dma_start3A_18 = tpu.memref_slice %arg6[%add3A, %dma_start3A_17] : memref<32x16xf32, #tpu.memory_space<hbm>> -> memref<1x16xf32, #tpu.memory_space<hbm>>
      %dma_start3A_19 = tpu.memref_squeeze %dma_start3A_18 : memref<1x16xf32, #tpu.memory_space<hbm>> -> memref<16xf32, #tpu.memory_space<hbm>>
      %dma_start3A_20 = arith.constant 0 : i32
      %dma_start3A_21 = tpu.memref_slice %arg6[%add3A, %dma_start3A_20] : memref<32x16xf32, #tpu.memory_space<hbm>> -> memref<1x16xf32, #tpu.memory_space<hbm>>
      %dma_start3A_22 = tpu.memref_squeeze %dma_start3A_21 : memref<1x16xf32, #tpu.memory_space<hbm>> -> memref<16xf32, #tpu.memory_space<hbm>>
      tpu.enqueue_dma source(%arg10 : memref<16xf32, #tpu.memory_space<vmem>>) target(%dma_start3A_22 : memref<16xf32, #tpu.memory_space<hbm>>) target_semaphore(%run_scoped3A : memref<!tpu.dma_semaphore, #tpu.memory_space<semaphore_mem>>)
      %dma_wait3A_23 = arith.constant 0 : i32
      %dma_wait3A_24 = tpu.memref_slice %arg6[%add3A, %dma_wait3A_23] : memref<32x16xf32, #tpu.memory_space<hbm>> -> memref<1x16xf32, #tpu.memory_space<hbm>>
      %dma_wait3A_25 = tpu.memref_squeeze %dma_wait3A_24 : memref<1x16xf32, #tpu.memory_space<hbm>> -> memref<16xf32, #tpu.memory_space<hbm>>
      %dma_wait3A_26 = arith.constant 0 : i32
      %dma_wait3A_27 = tpu.memref_slice %arg6[%add3A, %dma_wait3A_26] : memref<32x16xf32, #tpu.memory_space<hbm>> -> memref<1x16xf32, #tpu.memory_space<hbm>>
      %dma_wait3A_28 = tpu.memref_squeeze %dma_wait3A_27 : memref<1x16xf32, #tpu.memory_space<hbm>> -> memref<16xf32, #tpu.memory_space<hbm>>
      tpu.wait_dma2 semaphore(%run_scoped3A : memref<!tpu.dma_semaphore, #tpu.memory_space<semaphore_mem>>) src(%arg10 : memref<16xf32, #tpu.memory_space<vmem>>) dst(%dma_wait3A_28 : memref<16xf32, #tpu.memory_space<hbm>>)
      tpu.yield
    }) : () -> ()
    return
  }
}

module attributes {stable_mosaic.version = 14 : i64} {
  func.func @_argmin_body(%arg0: i32, %arg1: memref<256x32xf32, #tpu.memory_space<vmem>>, %arg2: memref<256x1xf32, #tpu.memory_space<vmem>>, %arg3: memref<8192x32xf32, #tpu.memory_space<vmem>>, %arg4: memref<1x8192xf32, #tpu.memory_space<vmem>>, %arg5: memref<1x1x256xi32, #tpu.memory_space<vmem>>) attributes {dimension_semantics = [#tpu.dimension_semantics<arbitrary>], iteration_bounds = array<i64: 32>, scalar_prefetch = 0 : i64, scratch_operands = 0 : i64, tpu.core_type = #tpu.core_type<tc>, window_params = [{transform_indices = @transform_0, window_bounds = array<i64: 256, 32>}, {transform_indices = @transform_1, window_bounds = array<i64: 256, 1>}, {pipeline_mode = #tpu.pipeline_mode<synchronous>, transform_indices = @transform_2, window_bounds = array<i64: 8192, 32>}, {pipeline_mode = #tpu.pipeline_mode<synchronous>, transform_indices = @transform_3, window_bounds = array<i64: 1, 8192>}, {transform_indices = @transform_4, window_bounds = array<i64: 1, 1, 256>}]} {
    %get3A = arith.constant 0 : index
    %get3A_0 = arith.constant 0 : index
    %get3A_1 = vector.load %arg1[%get3A, %get3A_0] : memref<256x32xf32, #tpu.memory_space<vmem>>, vector<256x32xf32>
    %get3A_2 = arith.constant 0 : index
    %get3A_3 = arith.constant 0 : index
    %get3A_4 = vector.load %arg3[%get3A_2, %get3A_3] : memref<8192x32xf32, #tpu.memory_space<vmem>>, vector<8192x32xf32>
    %dot_general3A = arith.constant dense<0.000000e+00> : vector<256x8192xf32>
    %dot_general3A_5 = tpu.matmul %get3A_1, %get3A_4, %dot_general3A {dimension_numbers = #tpu.dot_dimension_numbers<[1], [1], [0], [0], [0, 0, 1, 0], [], []>, transpose_lhs_hint = false} : vector<256x32xf32>, vector<8192x32xf32>, vector<256x8192xf32> -> vector<256x8192xf32>
    %get3A_6 = arith.constant 0 : index
    %get3A_7 = arith.constant 0 : index
    %get3A_8 = vector.load %arg2[%get3A_6, %get3A_7] : memref<256x1xf32, #tpu.memory_space<vmem>>, vector<256x1xf32>
    %get3A_9 = arith.constant 0 : index
    %get3A_10 = arith.constant 0 : index
    %get3A_11 = vector.load %arg4[%get3A_9, %get3A_10] : memref<1x8192xf32, #tpu.memory_space<vmem>>, vector<1x8192xf32>
    %add3A = vector.broadcast %get3A_8 : vector<256x1xf32> to vector<256x8192xf32>
    %add3A_12 = vector.broadcast %get3A_11 : vector<1x8192xf32> to vector<256x8192xf32>
    %add3A_13 = arith.addf %add3A, %add3A_12 : vector<256x8192xf32>
    %mul3A = arith.constant 2.000000e+00 : f32
    %mul3A_14 = vector.broadcast %mul3A : f32 to vector<256x8192xf32>
    %mul3A_15 = arith.mulf %mul3A_14, %dot_general3A_5 : vector<256x8192xf32>
    %sub3A = arith.subf %add3A_13, %mul3A_15 : vector<256x8192xf32>
    %max3A = arith.constant 0.000000e+00 : f32
    %max3A_16 = vector.broadcast %max3A : f32 to vector<256x8192xf32>
    %max3A_17 = arith.maximumf %sub3A, %max3A_16 : vector<256x8192xf32>
    %sqrt3A = math.sqrt %max3A_17 : vector<256x8192xf32>
    %iota3A = tpu.iota {dimensions = array<i32: 1>} : vector<256x8192xi32>
    %slice3A = vector.extract_strided_slice %sqrt3A {offsets = [0, 0], sizes = [256, 2816], strides = [1, 1]} : vector<256x8192xf32> to vector<256x2816xf32>
    %reduce_min3A = arith.constant dense<0x7F800000> : vector<256xf32>
    %reduce_min3A_18 = vector.multi_reduction <minimumf>, %slice3A, %reduce_min3A [1] : vector<256x2816xf32> to vector<256xf32>
    %broadcast_in_dim3A = vector.shape_cast %reduce_min3A_18 : vector<256xf32> to vector<256x1xf32>
    %eq3A = vector.broadcast %broadcast_in_dim3A : vector<256x1xf32> to vector<256x2816xf32>
    %eq3A_19 = arith.cmpf oeq, %slice3A, %eq3A : vector<256x2816xf32>
    %slice3A_20 = vector.extract_strided_slice %iota3A {offsets = [0, 0], sizes = [256, 2816], strides = [1, 1]} : vector<256x8192xi32> to vector<256x2816xi32>
    %jit3A = arith.constant 2147483647 : i32
    %broadcast_in_dim3A_21 = vector.broadcast %jit3A : i32 to vector<256x2816xi32>
    %select_n3A = arith.select %eq3A_19, %slice3A_20, %broadcast_in_dim3A_21 : vector<256x2816xi1>, vector<256x2816xi32>
    %reduce_min3A_22 = arith.constant dense<2147483647> : vector<256xi32>
    %reduce_min3A_23 = vector.multi_reduction <minsi>, %select_n3A, %reduce_min3A_22 [1] : vector<256x2816xi32> to vector<256xi32>
    %broadcast_in_dim3A_24 = vector.shape_cast %reduce_min3A_23 : vector<256xi32> to vector<256x1xi32>
    %convert_element_type3A = arith.truncf %broadcast_in_dim3A : vector<256x1xf32> to vector<256x1xbf16>
    %convert_element_type3A_25 = arith.extf %convert_element_type3A : vector<256x1xbf16> to vector<256x1xf32>
    %slice3A_26 = vector.extract_strided_slice %sqrt3A {offsets = [0, 2816], sizes = [256, 2816], strides = [1, 1]} : vector<256x8192xf32> to vector<256x2816xf32>
    %reduce_min3A_27 = arith.constant dense<0x7F800000> : vector<256xf32>
    %reduce_min3A_28 = vector.multi_reduction <minimumf>, %slice3A_26, %reduce_min3A_27 [1] : vector<256x2816xf32> to vector<256xf32>
    %broadcast_in_dim3A_29 = vector.shape_cast %reduce_min3A_28 : vector<256xf32> to vector<256x1xf32>
    %eq3A_30 = vector.broadcast %broadcast_in_dim3A_29 : vector<256x1xf32> to vector<256x2816xf32>
    %eq3A_31 = arith.cmpf oeq, %slice3A_26, %eq3A_30 : vector<256x2816xf32>
    %slice3A_32 = vector.extract_strided_slice %iota3A {offsets = [0, 2816], sizes = [256, 2816], strides = [1, 1]} : vector<256x8192xi32> to vector<256x2816xi32>
    %jit3A_33 = arith.constant 2147483647 : i32
    %broadcast_in_dim3A_34 = vector.broadcast %jit3A_33 : i32 to vector<256x2816xi32>
    %select_n3A_35 = arith.select %eq3A_31, %slice3A_32, %broadcast_in_dim3A_34 : vector<256x2816xi1>, vector<256x2816xi32>
    %reduce_min3A_36 = arith.constant dense<2147483647> : vector<256xi32>
    %reduce_min3A_37 = vector.multi_reduction <minsi>, %select_n3A_35, %reduce_min3A_36 [1] : vector<256x2816xi32> to vector<256xi32>
    %broadcast_in_dim3A_38 = vector.shape_cast %reduce_min3A_37 : vector<256xi32> to vector<256x1xi32>
    %convert_element_type3A_39 = arith.truncf %broadcast_in_dim3A_29 : vector<256x1xf32> to vector<256x1xbf16>
    %convert_element_type3A_40 = arith.extf %convert_element_type3A_39 : vector<256x1xbf16> to vector<256x1xf32>
    %lt3A = arith.cmpf olt, %broadcast_in_dim3A_29, %convert_element_type3A_25 : vector<256x1xf32>
    %select_n3A_41 = arith.select %lt3A, %broadcast_in_dim3A_38, %broadcast_in_dim3A_24 : vector<256x1xi1>, vector<256x1xi32>
    %select_n3A_42 = arith.select %lt3A, %convert_element_type3A_40, %convert_element_type3A_25 : vector<256x1xi1>, vector<256x1xf32>
    %slice3A_43 = vector.extract_strided_slice %sqrt3A {offsets = [0, 5632], sizes = [256, 2560], strides = [1, 1]} : vector<256x8192xf32> to vector<256x2560xf32>
    %reduce_min3A_44 = arith.constant dense<0x7F800000> : vector<256xf32>
    %reduce_min3A_45 = vector.multi_reduction <minimumf>, %slice3A_43, %reduce_min3A_44 [1] : vector<256x2560xf32> to vector<256xf32>
    %broadcast_in_dim3A_46 = vector.shape_cast %reduce_min3A_45 : vector<256xf32> to vector<256x1xf32>
    %eq3A_47 = vector.broadcast %broadcast_in_dim3A_46 : vector<256x1xf32> to vector<256x2560xf32>
    %eq3A_48 = arith.cmpf oeq, %slice3A_43, %eq3A_47 : vector<256x2560xf32>
    %slice3A_49 = vector.extract_strided_slice %iota3A {offsets = [0, 5632], sizes = [256, 2560], strides = [1, 1]} : vector<256x8192xi32> to vector<256x2560xi32>
    %jit3A_50 = arith.constant 2147483647 : i32
    %broadcast_in_dim3A_51 = vector.broadcast %jit3A_50 : i32 to vector<256x2560xi32>
    %select_n3A_52 = arith.select %eq3A_48, %slice3A_49, %broadcast_in_dim3A_51 : vector<256x2560xi1>, vector<256x2560xi32>
    %reduce_min3A_53 = arith.constant dense<2147483647> : vector<256xi32>
    %reduce_min3A_54 = vector.multi_reduction <minsi>, %select_n3A_52, %reduce_min3A_53 [1] : vector<256x2560xi32> to vector<256xi32>
    %broadcast_in_dim3A_55 = vector.shape_cast %reduce_min3A_54 : vector<256xi32> to vector<256x1xi32>
    %lt3A_56 = arith.cmpf olt, %broadcast_in_dim3A_46, %select_n3A_42 : vector<256x1xf32>
    %select_n3A_57 = arith.select %lt3A_56, %broadcast_in_dim3A_55, %select_n3A_41 : vector<256x1xi1>, vector<256x1xi32>
    %squeeze3A = vector.shape_cast %select_n3A_57 : vector<256x1xi32> to vector<256xi32>
    %swap3A = arith.constant 0 : index
    %swap3A_58 = arith.constant 0 : index
    %swap3A_59 = arith.constant 0 : index
    %swap3A_60 = vector.load %arg5[%swap3A, %swap3A_58, %swap3A_59] : memref<1x1x256xi32, #tpu.memory_space<vmem>>, vector<1x1x256xi32>
    %swap3A_61 = vector.shape_cast %swap3A_60 : vector<1x1x256xi32> to vector<256xi32>
    %swap3A_62 = vector.shape_cast %squeeze3A : vector<256xi32> to vector<1x1x256xi32>
    tpu.vector_store %arg5[%swap3A, %swap3A_58, %swap3A_59], %swap3A_62 {strides = array<i32>} : memref<1x1x256xi32, #tpu.memory_space<vmem>>, vector<1x1x256xi32>,
    return
  }
  func.func @transform_0(%arg0: i32) -> (i32, i32) {
    %c0_i32 = arith.constant 0 : i32
    %c0_i32_0 = arith.constant 0 : i32
    return %arg0, %c0_i32 : i32, i32
  }
  func.func @transform_1(%arg0: i32) -> (i32, i32) {
    %c0_i32 = arith.constant 0 : i32
    %c0_i32_0 = arith.constant 0 : i32
    return %arg0, %c0_i32 : i32, i32
  }
  func.func @transform_2(%arg0: i32) -> (i32, i32) {
    %c0_i32 = arith.constant 0 : i32
    %c0_i32_0 = arith.constant 0 : i32
    %c0_i32_1 = arith.constant 0 : i32
    return %c0_i32, %c0_i32_0 : i32, i32
  }
  func.func @transform_3(%arg0: i32) -> (i32, i32) {
    %c0_i32 = arith.constant 0 : i32
    %c0_i32_0 = arith.constant 0 : i32
    %c0_i32_1 = arith.constant 0 : i32
    return %c0_i32, %c0_i32_0 : i32, i32
  }
  func.func @transform_4(%arg0: i32) -> (i32, i32, i32) {
    %c0_i32 = arith.constant 0 : i32
    %c0_i32_0 = arith.constant 0 : i32
    %c0_i32_1 = arith.constant 0 : i32
    return %arg0, %c0_i32, %c0_i32_0 : i32, i32, i32
  }
}

</mosaic_0001>

<sc_bundles>
// kernel: kernel.4.cloned.1.call-start
scs
__scs_entry_jumppad:
0x0: {  	(pc) =	sbr.rel $0x88, $3  }
0x1: {  	(tag) =	ssettag $0x0;
	lr =	simm.s32 $0x1  }
0x2: {  	[smem:$0x3F9F] =	sst lr;
	_ =	strace $0xD0000000  }
0x3: {  	_ = 	snop  }
0x4: {  	_ = 	snop  }
0x5: {  	_ = 	snop  }
0x6: {  	_ = 	snop  }
0x7: {  	_ = 	snop  }
__scs_overlays_trampoline_lowered:
0x8: {  	[smem:$0x3FAE] =	sst s0  }
0x9: {  	[smem:$0x3FAF] =	sst s1  }
0xa: {  	[smem:$0x3FB0] =	sst s2  }
0xb: {  	[smem:$0x3FB1] =	sst s3  }
0xc: {  	[smem:$0x3FB2] =	sst s4  }
0xd: {  	[smem:$0x3FB3] =	sst s5  }
0xe: {  	[smem:$0x3FB4] =	sst s6  }
0xf: {  	[smem:$0x3FB5] =	sst s7  }
0x10: {  	[smem:$0x3FB6] =	sst s8  }
0x11: {  	[smem:$0x3FB7] =	sst s9;
	s0 =	simm.s32 @!p0 $0x0  }
0x12: {  	s1 =	sld [smem:$0x3F9D];
	s0 =	simm.s32 @p0 $0x1  }
0x13: {  	[smem:$0x3FB8] =	sst s0;
	s0 =	simm.s32 @!p1 $0x0  }
0x14: {  	s2 =	sld [smem:$0x3F9C];
	s0 =	simm.s32 @p1 $0x1  }
0x15: {  	[smem:$0x3FB9] =	sst s0;
	s0 =	simm.s32 @!p2 $0x0  }
0x16: {  	s3 =	sld [smem:$0x3FDB];
	s0 =	simm.s32 @p2 $0x1  }
0x17: {  	s4 =	simm.s32 $0x1BF5;
	[smem:$0x3FBB] =	sst s0  }
0x18: {  	s0 =	sld [smem:$0x3F9E];
	_ =	swait.ge [sflag:s4], $0x0  }
0x19: {  	s7 =	sld [smem:$0x3F9F]  }
0x1a: {  	s8 =	sadd.s32 $0xFFFFE003, lr  }
0x1b: {  	s9 =	sadd.s32 $0xFFFFFEF7, lr;
	s5 =	simm.s32 $0xFFFFFFFF;
	p2 =	slt.u32 s8, $0xFFFFF086  }
0x1c: {  	p1 =	slt.u32 s9, $0xF7A;
	s5 =	simm.s32 @!p2 $0x0  }
0x1d: {  	s5 =	simm.s32 @p1 $0x1;
	p0 =	seq.s32 s7, s2  }
0x1e: {  	s7 =	smul.u32 @!p0 $0xF7A, s2;
	p2 =	seq.s32 @!p0 s5, $0x0  }
0x1f: {  	s9 =	smul.u32 $0xF7A, s1;
	s8 =	simm.s32 @!p0 $0x1BF5;
	p2 =	por !p2, p0  }
0x20: {  	[sflag:s8] =	ssyncset.s32 @!p0 $0xFFFFF086;
	s6 =	sadd.s32 @!p0 s3, s7;
	s7 =	simm.s32 @!p0 $0x108  }
0x21: {  	s3 =	sadd.s32 s3, s9;
	s6 =	sadd.s32 @!p0 $0x88, s6;
	s7 =	simm.s32 @p2 $0x1082  }
0x22: {  	[simem:s7], [sflag:s8] =	dma.local @!p0 [hbm:s6], $0xF7A  }
0x23: {  	s9 =	sor.u32 $0xD0000000, s2;
	s6 =	simm.s32 $0x108;
	_ =	swait.ge @!p0 [sflag:s8], $0x0  }
0x24: {  	s3 =	sadd.s32 $0x88, s3;
	s6 =	simm.s32 @!p1 $0x1082;
	[sflag:s4] =	ssyncset.s32 $0xFFFFF086  }
0x25: {  	[simem:s6], [sflag:s4] =	dma.local [hbm:s3], $0xF7A  }
0x26: {  	[smem:$0x3F9F] =	sst s1;
	(tag) =	ssettag s2;
	_ =	strace s9  }
0x27: {  	s1 =	sld [smem:$0x3FAF]  }
0x28: {  	s2 =	sld [smem:$0x3FB0]  }
0x29: {  	s4 =	sld [smem:$0x3FB2]  }
0x2a: {  	p0 =	seq.s32 s5, $0x0;
	s5 =	sld [smem:$0x3FB3]  }
0x2b: {  	s6 =	sld [smem:$0x3FB4]  }
0x2c: {  	s7 =	sld [smem:$0x3FB5]  }
0x2d: {  	s3 =	simm.s32 $0x108;
	s8 =	sld [smem:$0x3FB6]  }
0x2e: {  	s3 =	simm.s32 @!p0 $0x1082;
	s9 =	sld [smem:$0x3FB7]  }
0x2f: {  	lr =	sadd.s32 s0, s3;
	s0 =	sld [smem:$0x3FAE]  }
0x30: {  	s3 =	sld [smem:$0x3FB1]  }
0x31: {  	[smem:$0x3FBA] =	sst s10  }
0x32: {  	s10 =	sld [smem:$0x3FB8];
	_ =	sdelay $0x3  }
0x33: {  	p0 =	seq.s32 s10, $0x1;
	s10 =	sld [smem:$0x3FBA];
	_ =	sdelay $0x3  }
0x34: {  	[smem:$0x3FBA] =	sst s10  }
0x35: {  	s10 =	sld [smem:$0x3FB9];
	_ =	sdelay $0x3  }
0x36: {  	p1 =	seq.s32 s10, $0x1;
	s10 =	sld [smem:$0x3FBA];
	_ =	sdelay $0x3  }
0x37: {  	[smem:$0x3FBA] =	sst s10  }
0x38: {  	s10 =	sld [smem:$0x3FBB]  }
0x39: {  	_ = 	snop;
	(pc) =	sbr.ind lr, $3  }
0x3a: {  	_ = 	snop  }
0x3b: {  	_ = 	snop  }
0x3c: {  	p2 =	seq.s32 s10, $0x1;
	s10 =	sld [smem:$0x3FBA]  }
0x3d: {  	_ =	shalt  }
0x3e: {  	_ =	shalt  }
0x3f: {  	_ =	shalt  }
0x40: {  	_ =	shalt  }
0x41: {  	_ =	shalt  }
0x42: {  	_ =	shalt  }
0x43: {  	_ =	shalt  }
0x44: {  	_ =	shalt  }
0x45: {  	_ =	shalt  }
0x46: {  	_ =	shalt  }
0x47: {  	_ =	shalt  }
0x48: {  	_ =	shalt  }
0x49: {  	_ =	shalt  }
0x4a: {  	_ =	shalt  }
0x4b: {  	_ =	shalt  }
0x4c: {  	_ =	shalt  }
0x4d: {  	_ =	shalt  }
0x4e: {  	_ =	shalt  }
0x4f: {  	_ =	shalt  }
0x50: {  	_ =	shalt  }
0x51: {  	_ =	shalt  }
0x52: {  	_ =	shalt  }
0x53: {  	_ =	shalt  }
0x54: {  	_ =	shalt  }
0x55: {  	_ =	shalt  }
0x56: {  	_ =	shalt  }
0x57: {  	_ =	shalt  }
0x58: {  	_ =	shalt  }
0x59: {  	_ =	shalt  }
0x5a: {  	_ =	shalt  }
0x5b: {  	_ =	shalt  }
0x5c: {  	_ =	shalt  }
0x5d: {  	_ =	shalt  }
0x5e: {  	_ =	shalt  }
0x5f: {  	_ =	shalt  }
0x60: {  	_ =	shalt  }
0x61: {  	_ =	shalt  }
0x62: {  	_ =	shalt  }
0x63: {  	_ =	shalt  }
0x64: {  	_ =	shalt  }
0x65: {  	_ =	shalt  }
0x66: {  	_ =	shalt  }
0x67: {  	_ =	shalt  }
0x68: {  	_ =	shalt  }
0x69: {  	_ =	shalt  }
0x6a: {  	_ =	shalt  }
0x6b: {  	_ =	shalt  }
0x6c: {  	_ =	shalt  }
0x6d: {  	_ =	shalt  }
0x6e: {  	_ =	shalt  }
0x6f: {  	_ =	shalt  }
0x70: {  	_ =	shalt  }
0x71: {  	_ =	shalt  }
0x72: {  	_ =	shalt  }
0x73: {  	_ =	shalt  }
0x74: {  	_ =	shalt  }
0x75: {  	_ =	shalt  }
0x76: {  	_ =	shalt  }
0x77: {  	_ =	shalt  }
0x78: {  	_ =	shalt  }
0x79: {  	_ =	shalt  }
0x7a: {  	_ =	shalt  }
0x7b: {  	_ =	shalt  }
0x7c: {  	_ =	shalt  }
0x7d: {  	_ =	shalt  }
0x7e: {  	_ =	shalt  }
0x7f: {  	_ =	shalt  }
0x80: {  	_ =	shalt  }
0x81: {  	_ =	shalt  }
0x82: {  	_ =	shalt  }
0x83: {  	_ =	shalt  }
0x84: {  	_ =	shalt  }
0x85: {  	_ =	shalt  }
0x86: {  	_ =	shalt  }
0x87: {  	_ =	shalt  }
.Lfunc_end0:
.L_simem_size_0:
called_computation_lowered:
.L_overlay_start_0:
0x88: {  	s2 =	sld [smem:$0x3FD9]  }
0x89: {  	s3 =	sld [smem:$0x3FFE];
	_ =	sdelay $0x1  }
0x8a: {  	s1 =	srdreg.scid  }
0x8b: {  	s0 =	sand.u32 $0x1, s1  }
0x8c: {  	s14 =	sshll.u32 s0, $0xA;
	s2 =	sadd.s32 s3, s2  }
0x8d: {  	s2 =	sadd.s32 s2, s14  }
0x8e: {  	[smem:$0x3FC6] =	sst s2  }
0x8f: {  	_ = 	snop  }
0x90: {  	s2 =	sld [smem:$0x3FD0];
	_ =	sdelay $0x2  }
0x91: {  	s15 =	simm.s32 $0xA;
	s4 =	simm.s32 $0x10  }
0x92: {  	[smem:s4], [sflag:s15] =	dma.local [hbm:s2], $0x1  }
0x93: {  	_ =	swait.eq [sflag:s15], $0x1  }
0x94: {  	[sflag:s15] =	ssyncset.done $0x0  }
0x95: {  	[sflag:s15] =	ssyncadd.s32 $0xFFFFFFFF  }
0x96: {  	s16 =	sld [smem:$0x10];
	(tm) =	ssettm $0x1  }
0x97: {  	s17 =	sld [smem:$0x3FFB];
	_ =	sdelay $0x3  }
0x98: {  	_ =	strace s17  }
0x99: {  	s3 =	sld [smem:$0x3FFC];
	_ =	sdelay $0x3  }
0x9a: {  	_ =	strace s3  }
0x9b: {  	s3 =	sld [smem:$0x3FFD];
	_ =	sdelay $0x3  }
0x9c: {  	_ =	strace s3  }
0x9d: {  	_ =	strace $0x8FFFFFFF  }
0x9e: {  	s18 =	sld [smem:$0x3FDB];
	_ =	sdelay $0x1  }
0x9f: {  	s19 =	simm.s32 $_scs_section_size  }
0xa0: {  	s5 =	simm.s32 $_size__tile_overlayer_lowered;
	s6 =	simm.s32 $_tile_overlayer_lowered  }
0xa1: {  	s22 =	simm.s32 $0x1BFF;
	s21 =	sshll.u32 s6, $0x1;
	s3 =	sadd.s32 s19, s18  }
0xa2: {  	s7 =	simm.s32 $0x0;
	s20 =	sshll.u32 s5, $0x1;
	s5 =	sadd.s32 s21, s3  }
0xa3: {  	[timem:s7], [sflag:s22] =	dma.local [hbm:s5], s20  }
0xa4: {  	_ =	swait.ge [sflag:s22], s20  }
0xa5: {  	s4 =	ssub.s32 $0x0, s20;
	[sflag:s22] =	ssyncset.done $0x0  }
0xa6: {  	[sflag:s22] =	ssyncadd.s32 s4;
	_ =	sdelay $0x1  }
0xa7: {  	s23 =	simm.s32 $0x1B8B  }
0xa8: {  	_ =	swait.ge [sflag:s23], $0x1  }
0xa9: {  	[sflag:s23] =	ssyncset.done $0x0  }
0xaa: {  	s25 =	simm.s32 $0x1B8E;
	s24 =	sld [smem:$0x3FFE];
	[sflag:s23] =	ssyncadd.s32 $0xFFFFFFFF  }
0xab: {  	s26 =	simm.s32 $execute0_lowered;
	[smem:$0x3FD2] =	sst s25  }
0xac: {  	s5 =	sshll.u32 s26, $0x1;
	_ =	strace $0x80000046;
	[dreg:$0x1] =	wrdreg $0xFFFFFFFF  }
0xad: {  	s28 =	simm.s32 $_size_execute0_lowered;
	s3 =	sadd.s32 s3, s5;
	[dreg:$0x0] =	wrdreg $0x0  }
0xae: {  	s5 =	sshll.u32 s28, $0x1;
	[dreg:$0x2] =	wrdreg s3  }
0xaf: {  	[dreg:$0x3] =	wrdreg s5  }
0xb0: {  	[dreg:$0x4] =	wrdreg $0xC0  }
0xb1: {  	_ =	task [dreg:s7], $0x5FFFF  }
0xb2: {  	[dreg:$0x1] =	wrdreg $0xFFFFFFFF  }
0xb3: {  	[dreg:$0x0] =	wrdreg $0x60  }
0xb4: {  	[dreg:$0x2] =	wrdreg s16  }
0xb5: {  	[dreg:$0x3] =	wrdreg s24  }
0xb6: {  	[dreg:$0x4] =	wrdreg $0x9  }
0xb7: {  	_ =	task.clear_ibuf [dreg:s7], $0x5FFFF;
	_ =	strace $0x90000046  }
0xb8: {  	s29 =	simm.s32 $0x9;
	_ =	strace $0x80000048  }
0xb9: {  	_ =	swait.ge [sflag:s29], $0x1  }
0xba: {  	[sflag:s29] =	ssyncadd.s32 $0xFFFFFFFF  }
0xbb: {  	_ =	strace $0x90000048  }
0xbc: {  	_ =	sfence  }
0xbd: {  	s30 =	sld [smem:$0x0];
	_ =	sdelay $0x2  }
0xbe: {  	s31 =	sshll.u32 s1, $0xD;
	s1 =	sshrl.u32 s1, $0x2  }
0xbf: {  	s3 =	sand.u32 $0x4000, s31;
	s1 =	sadd.s32 s1, s30  }
0xc0: {  	s0 =	sor.u32 s3, s0;
	s1 =	sshll.u32 s1, $0x11  }
0xc1: {  	s0 =	sor.u32 s1, s0  }
0xc2: {  	s0 =	sadd.s32 $0x8F2B, s0  }
0xc3: {  	[sflag:s0] =	ssyncadd.remote.s32 $0x1  }
0xc4: {  	_ =	sfence.sel $0xFFFF  }
0xc5: {  	[dreg:$0x0] =	wrdreg $0xFFFFFFFF;
	(pc) =	sbr.abs _section_cstart, $3  }
0xc6: {  	[dreg:$0x1] =	wrdreg $0xFFFFFFFF  }
0xc7: {  	_ =	task.clear_ibuf [dreg:s7], $0x2FFFF;
	_ =	strace $0x9FFFFFFF  }
0xc8: {  	(tm) =	ssettm $0x7FFFFFFF  }
0xc9: {  	_ =	shalt  }
tec
execute0_lowered:
.L_overlay_start_1:
0x0: {  	(tag) =	ssettag $0x1  }
0x1: {  	s2 =	rddreg [dreg:$0x0]  }
0x2: {  	s5 =	rddreg [dreg:$0x1]  }
0x3: {  	s0 =	rddreg [dreg:$0x2]  }
0x4: {  	s4 =	srdreg.scid;
	s1 =	stileid.u32;
	s3 =	simm.s32 $0x0  }
0x5: {  	s10 =	simm.s32 $0x100;
	s11 =	simm.s32 $0x1;
	s12 =	simm.s32 $0x2100  }
0x6: {  	s13 =	simm.s32 $0x4100;
	s4 =	sand.u32 $0x1, s4;
	s6 =	sshll.u32 s1, $0x1  }
0x7: {  	s14 =	simm.s32 $0x0;
	[smem:$0x7FF] =	sst s3;
	s6 =	sor.u32 s4, s6  }
0x8: {  	_ =	strace $0x80000047;
	s4 =	ssub.s32 $0x2, s4;
	s7 =	sshll.u32 s6, $0x5  }
0x9: {  	s8 =	sshll.u32 s6, $0x1;
	s9 =	sshrl.u32 s4, $0x1;
	s6 =	sshll.u32 s6, $0xA  }
0xa: {  	s7 =	sadd.s32 s7, s5;
	s8 =	sadd.s32 s8, s5;
	s5 =	sadd.s32 s5, s6  }
0xb: {  	s9 =	ssub.s32 s4, s9;
	s4 =	sadd.s32 $0x8000, s7;
	s6 =	sadd.s32 $0x8600, s5  }
0xc: {  	s7 =	sadd.s32 $0x8400, s8;
	s8 =	smax.u32 s9, $0x1;
	s9 =	simm.s32 $0x2  }
.LBB2_1:
0xd: {  	[tilespmem:s3], [sflag:$0x2] =	stream.linear.gather [hbm4b:s4+s3], $0x100, $0x38;
	[tilespmem:$0x4110] =	vst v63  }
0xe: {  	_ =	swait.ge [sflag:s9], $0x100  }
0xf: {  	[sflag:s9] =	ssyncset.done $0x0  }
0x10: {  	[sflag:s9] =	ssyncadd.s32 $0xFFFFFF00  }
0x11: {  	[tilespmem:s10], [sflag:$0x1] =	stream.indirect.gather [hbm4b:s2+s10], $0x20, s3, s10, $0xb8;
	[tilespmem:$0x4110] =	vst v63  }
0x12: {  	_ =	swait.ge [sflag:s11], $0x2000  }
0x13: {  	[sflag:s11] =	ssyncset.done $0x0  }
0x14: {  	[sflag:s11] =	ssyncadd.s32 $0xFFFFE000  }
0x15: {  	[hbm4b:s6+s3] =	stream.linear.scatter [tilespmem:s10], [sflag:$0x2], $0x2000, $0x38;
	[tilespmem:$0x4110] =	vst v63  }
0x16: {  	_ =	swait.ge [sflag:s9], $0x2000  }
0x17: {  	[sflag:s9] =	ssyncset.done $0x0  }
0x18: {  	[sflag:s9] =	ssyncadd.s32 $0xFFFFE000  }
0x19: {  	[tilespmem:s12], [sflag:$0x2] =	stream.linear.gather [hbm4b:s5+s3], $0x2000, $0x38;
	[tilespmem:$0x4110] =	vst v63  }
0x1a: {  	_ =	swait.ge [sflag:s9], $0x2000  }
0x1b: {  	[sflag:s9] =	ssyncset.done $0x0  }
0x1c: {  	s15 =	simm.s32 $0x0;
	[sflag:s9] =	ssyncadd.s32 $0xFFFFE000  }
0x1d: {  	v0 =	vld [tilespmem:s15+$0x110]  }
0x1e: {  	v1 =	vld [tilespmem:s15+$0x2110]  }
0x1f: {  	v2 =	vld [tilespmem:s15+$0x100]  }
0x20: {  	v4 =	vld [tilespmem:s15+$0x2100];
	_ =	sdelay $0x1  }
0x21: {  	s16 =	simm.s32 $0x20  }
0x22: {  	v3 =	vld [tilespmem:s16+$0x2110];
	v1 =	vsub.f32 v0, v1  }
0x23: {  	v0 =	vld [tilespmem:s16+$0x110]  }
0x24: {  	v5 =	vld [tilespmem:s16+$0x2100];
	v2 =	vsub.f32 v2, v4;
	v7 =	vmul.f32 v1, v1  }
0x25: {  	v4 =	vld [tilespmem:s16+$0x100];
	v1 =	vimm.f32 $0.0e+00  }
0x26: {  	s15 =	simm.s32 $0x100;
	v6 =	vmul.f32 v2, v2;
	v2 =	vadd.f32 v7, v1  }
.LBB2_2:
0x27: {  	s16 =	sshra.s32 s15, $0x2;
	p0 =	sne.s32 s15, $0x7F80  }
.Ltmp0:
0x28: {  	s15 =	sadd.s32 $0x80, s15;
	v7 =	vsub.f32 v0, v3;
	v0 =	vld [tilespmem:s16+$0x110];
	v1 =	vadd.f32 v6, v1;
	(pc) =	sbr.rel @p0 .LBB2_2-.Ltmp0, $4  }
0x29: {  	v3 =	vld [tilespmem:s16+$0x2110]  }
0x2a: {  	v6 =	vsub.f32 v4, v5;
	v4 =	vld [tilespmem:s16+$0x100];
	v7 =	vmul.f32 v7, v7  }
0x2b: {  	v5 =	vld [tilespmem:s16+$0x2100]  }
0x2c: {  	v6 =	vmul.f32 v6, v6;
	v2 =	vadd.f32 v7, v2  }
0x2d: {  	_ =	sdelay $0x2  }
0x2e: {  	v0 =	vsub.f32 v0, v3;
	v63 =	vsub.f32 v4, v5;
	_ =	sdelay $0x1  }
0x2f: {  	v1 =	vadd.f32 v6, v1;
	v0 =	vmul.f32 v0, v0;
	v3 =	vmul.f32 v63, v63;
	_ =	sdelay $0x1  }
0x30: {  	v0 =	vadd.f32 v0, v2;
	v1 =	vadd.f32 v3, v1;
	_ =	sdelay $0x1  }
0x31: {  	s14 =	sadd.s32 $0x1, s14;
	v0 =	vadd.f32 v0, v1  }
0x32: {  	p0 =	sne.s32 s14, s8  }
.Ltmp1:
0x33: {  	[tilespmem:$0x4100] =	vst v0;
	(pc) =	sbr.rel @p0 .LBB2_1-.Ltmp1, $4  }
0x34: {  	[hbm4b:s7+s3] =	stream.linear.scatter [tilespmem:s13], [sflag:$0x2], $0x10, $0x38;
	[tilespmem:$0x4110] =	vst v63  }
0x35: {  	_ =	swait.ge [sflag:s9], $0x10  }
0x36: {  	[sflag:s9] =	ssyncset.done $0x0  }
0x37: {  	[sflag:s9] =	ssyncadd.s32 $0xFFFFFFF0  }
0x38: {  	_ =	sfence.sel $0x180000  }
0x39: {  	[bflag:$0x0] =	sbarrier.arrive $0xFFFF  }
0x3a: {  	p0 =	sne.s32 s1, $0x0;
	_ =	strace $0x90000047  }
0x3b: {  	s0 =	sadd.s32 @!p0 $0x100000, s0;
	[bflag:$0x2] =	sbarrier.arrive $0xFFFF  }
0x3c: {  	[sflag:s0] =	ssyncadd.tile.s32 @!p0 $0x1;
	_ =	shalt  }
.Lfunc_end2:
_tile_overlayer_lowered:
.L_overlay_start_2:
0x3d: {  	(tag) =	ssettag $0x2  }
0x3e: {  	s0 =	rddreg [dreg:$0x0];
	s2 =	stileid.u32  }
0x3f: {  	s1 =	rddreg [dreg:$0x1];
	p0 =	sne.s32 s2, $0x0  }
0x40: {  	s3 =	rddreg [dreg:$0x2];
	[bflag:$0x3] =	sbarrier.arrive $0xFFFF;
	s2 =	simm.s32 @!p0 $0x1C02  }
0x41: {  	[timem:s3], [sflag:s2] =	dma.local @!p0 [hbm:s0], s1  }
0x42: {  	s0 =	simm.s32 @!p0 $0x2  }
0x43: {  	_ =	swait.ge @!p0 [sflag:s0], s1  }
0x44: {  	s1 =	ssub.s32 @!p0 $0x0, s1;
	[sflag:s0] =	ssyncset.done @!p0 $0x0  }
0x45: {  	[sflag:s0] =	ssyncadd.s32 @!p0 s1  }
0x46: {  	[bflag:$0x3] =	sbarrier.arrive $0xFFFF  }
0x47: {  	_ =	shalt  }

</sc_bundles>
